<compile_context>
chip_gen: v7x
topology: tpu7x:2x2x1
jax: 0.10.2.dev20260603
libtpu: 0.0.44.dev20260713+nightly
codegen_flags: <defaults>
</compile_context>

<pallas_src>
import functools

import jax
import jax.numpy as jnp
from jax import lax
from jax.experimental import pallas as pl
from jax.experimental.pallas import tpu as pltpu
from jax.experimental.pallas import tpu_sc as plsc

SEQ_LEN = 8192
VOCAB = 256
NUM_CORES = 2
NUM_SUBCORES = 16
NUM_WORKERS = NUM_CORES * NUM_SUBCORES
IDS_PER_WORKER = SEQ_LEN // NUM_WORKERS
LANES = 16

_mesh = plsc.VectorSubcoreMesh(
    core_axis_name="c", subcore_axis_name="s",
    num_cores=NUM_CORES, num_subcores=NUM_SUBCORES,
)


@functools.partial(
    pl.kernel,
    out_type=jax.ShapeDtypeStruct((NUM_WORKERS, VOCAB), jnp.float32),
    mesh=_mesh,
    scratch_types=[
        pltpu.VMEM((IDS_PER_WORKER,), jnp.int32),
        pltpu.VMEM((VOCAB,), jnp.float32),
    ],
    compiler_params=pltpu.CompilerParams(needs_layout_passes=False),
)
def _sc_histogram(ids_hbm, out_hbm, ids_v, hist_v):
    wid = lax.axis_index("s") * NUM_CORES + lax.axis_index("c")
    base = wid * IDS_PER_WORKER
    pltpu.sync_copy(ids_hbm.at[pl.ds(base, IDS_PER_WORKER)], ids_v)
    zeros = jnp.zeros((LANES,), jnp.float32)
    for i in range(VOCAB // LANES):
        hist_v[pl.ds(i * LANES, LANES)] = zeros
    ones = jnp.ones((LANES,), jnp.float32)
    for i in range(IDS_PER_WORKER // LANES):
        idx = ids_v[pl.ds(i * LANES, LANES)]
        plsc.addupdate_scatter(hist_v, [idx], ones)
    pltpu.sync_copy(hist_v, out_hbm.at[wid])


def _tc_dense(partials_ref, embed_ref, cls_ref, bias_ref, out_ref):
    counts = jnp.sum(partials_ref[...], axis=0, keepdims=True)
    mean = lax.dot_general(
        counts, embed_ref[...],
        (((1,), (0,)), ((), ())),
        preferred_element_type=jnp.float32,
    ) * (1.0 / SEQ_LEN)
    logits = lax.dot_general(
        mean, cls_ref[...],
        (((1,), (1,)), ((), ())),
        preferred_element_type=jnp.float32,
    ) + bias_ref[...]
    out_ref[...] = 1.0 / (1.0 + jnp.exp(-logits))


def kernel(byte_ids, embed_weight, cls_weight, cls_bias):
    ids = byte_ids.reshape(-1).astype(jnp.int32)
    partials = _sc_histogram(ids)
    scores = pl.pallas_call(
        _tc_dense,
        out_shape=jax.ShapeDtypeStruct((1, cls_weight.shape[0]), jnp.float32),
    )(partials, embed_weight, cls_weight, cls_bias.reshape(1, -1))
    return scores.reshape(-1)

# --- scband reference (transcript-rebuilt; emitter-appended) ---
"""Pipeline reference for scband-category-scorer-65687229825707 (READ-ONLY COPY).

The authoritative reference and input builder live on the scoring server;
editing this copy changes nothing except your own understanding.
"""

import jax, jax.numpy as jnp
import numpy as np

D_MODEL = 256
N_CAT = 12
VOCAB = 256
SEQ_LEN = 8192


def setup_inputs(seed: int = 0) -> dict:
    key = jax.random.key(seed)
    k1, k2, k3 = jax.random.split(key, 3)
    byte_ids = jax.random.randint(k1, (1, SEQ_LEN), 0, 256)
    embed_weight = jax.random.normal(k2, (VOCAB, D_MODEL), dtype=jnp.float32)
    cls_weight = jax.random.normal(k3, (N_CAT, D_MODEL), dtype=jnp.float32) * 0.05
    cls_bias = jnp.zeros((N_CAT,), dtype=jnp.float32)
    return {
        "byte_ids": byte_ids,
        "embed_weight": embed_weight,
        "cls_weight": cls_weight,
        "cls_bias": cls_bias,
    }


def reference(byte_ids, embed_weight, cls_weight, cls_bias):
    # nn.EmbeddingBag(256, d_model, mode='mean'): gather rows then mean over the bag (sequence) dim
    gathered = jnp.take(embed_weight, byte_ids, axis=0)  # [1, L, d_model]
    emb = jnp.mean(gathered, axis=1)                      # [1, d_model]
    logits = emb @ cls_weight.T + cls_bias                # [1, n_cat]
    scores = jax.nn.sigmoid(logits)
    return scores[0]  # squeeze(0) -> [n_cat]

if __name__ == "__main__":
    import jax
    _d = setup_inputs()
    print(jax.jit(kernel)(*tuple(_d.values())))

</pallas_src>

<mosaic_0001>
#map = affine_map<(d0, d1) -> (0)>
#map1 = affine_map<(d0, d1) -> (0, 0)>
module attributes {stable_mosaic.version = 14 : i64} {
  func.func @_sc_histogram(%arg0: i32, %arg1: i32, %arg2: memref<8192xi32, #tpu.memory_space<hbm>>, %arg3: memref<32x256xf32, #tpu.memory_space<hbm>>, %arg4: memref<256xi32, #tpu.memory_space<vmem>>, %arg5: memref<256xf32, #tpu.memory_space<vmem>>) attributes {dimension_semantics = [#tpu.dimension_semantics<core_parallel>, #tpu.dimension_semantics<subcore_parallel>], iteration_bounds = array<i64: 2, 16>, scalar_prefetch = 0 : i64, scratch_operands = 2 : i64, tpu.core_type = #tpu.core_type<sc_vector_subcore>, window_params = [{transform_indices = #map}, {transform_indices = #map1}]} {
    %mul3A = arith.constant 2 : i32
    %mul3A_0 = arith.muli %arg1, %mul3A : i32
    %add3A = arith.addi %mul3A_0, %arg0 : i32
    %mul3A_1 = arith.constant 256 : i32
    %mul3A_2 = arith.muli %add3A, %mul3A_1 : i32
    "tpu.region"() ({
      %run_scoped3A = tpu.sem_alloc : memref<!tpu.dma_semaphore, #tpu.memory_space<semaphore_mem>>
      %dma_start3A = tpu.memref_slice %arg2[%mul3A_2] : memref<8192xi32, #tpu.memory_space<hbm>> -> memref<256xi32, #tpu.memory_space<hbm>>
      %dma_start3A_68 = tpu.memref_slice %arg2[%mul3A_2] : memref<8192xi32, #tpu.memory_space<hbm>> -> memref<256xi32, #tpu.memory_space<hbm>>
      tpu.enqueue_dma source(%dma_start3A_68 : memref<256xi32, #tpu.memory_space<hbm>>) target(%arg4 : memref<256xi32, #tpu.memory_space<vmem>>) target_semaphore(%run_scoped3A : memref<!tpu.dma_semaphore, #tpu.memory_space<semaphore_mem>>)
      %dma_wait3A = tpu.memref_slice %arg2[%mul3A_2] : memref<8192xi32, #tpu.memory_space<hbm>> -> memref<256xi32, #tpu.memory_space<hbm>>
      %dma_wait3A_69 = tpu.memref_slice %arg2[%mul3A_2] : memref<8192xi32, #tpu.memory_space<hbm>> -> memref<256xi32, #tpu.memory_space<hbm>>
      tpu.wait_dma2 semaphore(%run_scoped3A : memref<!tpu.dma_semaphore, #tpu.memory_space<semaphore_mem>>) src(%dma_wait3A_69 : memref<256xi32, #tpu.memory_space<hbm>>) dst(%arg4 : memref<256xi32, #tpu.memory_space<vmem>>)
      tpu.yield
    }) : () -> ()
    %broadcast_in_dim3A = arith.constant 0.000000e+00 : f32
    %broadcast_in_dim3A_3 = vector.broadcast %broadcast_in_dim3A : f32 to vector<16xf32>
    %swap3A = arith.constant 0 : index
    %swap3A_4 = tpu.vector_load %arg5[%swap3A] {strides = array<i32>} : memref<256xf32, #tpu.memory_space<vmem>>, vector<16xf32>,
    tpu.vector_store %arg5[%swap3A], %broadcast_in_dim3A_3 {strides = array<i32>} : memref<256xf32, #tpu.memory_space<vmem>>, vector<16xf32>,
    %swap3A_5 = arith.constant 16 : index
    %swap3A_6 = tpu.vector_load %arg5[%swap3A_5] {strides = array<i32>} : memref<256xf32, #tpu.memory_space<vmem>>, vector<16xf32>,
    tpu.vector_store %arg5[%swap3A_5], %broadcast_in_dim3A_3 {strides = array<i32>} : memref<256xf32, #tpu.memory_space<vmem>>, vector<16xf32>,
    %swap3A_7 = arith.constant 32 : index
    %swap3A_8 = tpu.vector_load %arg5[%swap3A_7] {strides = array<i32>} : memref<256xf32, #tpu.memory_space<vmem>>, vector<16xf32>,
    tpu.vector_store %arg5[%swap3A_7], %broadcast_in_dim3A_3 {strides = array<i32>} : memref<256xf32, #tpu.memory_space<vmem>>, vector<16xf32>,
    %swap3A_9 = arith.constant 48 : index
    %swap3A_10 = tpu.vector_load %arg5[%swap3A_9] {strides = array<i32>} : memref<256xf32, #tpu.memory_space<vmem>>, vector<16xf32>,
    tpu.vector_store %arg5[%swap3A_9], %broadcast_in_dim3A_3 {strides = array<i32>} : memref<256xf32, #tpu.memory_space<vmem>>, vector<16xf32>,
    %swap3A_11 = arith.constant 64 : index
    %swap3A_12 = tpu.vector_load %arg5[%swap3A_11] {strides = array<i32>} : memref<256xf32, #tpu.memory_space<vmem>>, vector<16xf32>,
    tpu.vector_store %arg5[%swap3A_11], %broadcast_in_dim3A_3 {strides = array<i32>} : memref<256xf32, #tpu.memory_space<vmem>>, vector<16xf32>,
    %swap3A_13 = arith.constant 80 : index
    %swap3A_14 = tpu.vector_load %arg5[%swap3A_13] {strides = array<i32>} : memref<256xf32, #tpu.memory_space<vmem>>, vector<16xf32>,
    tpu.vector_store %arg5[%swap3A_13], %broadcast_in_dim3A_3 {strides = array<i32>} : memref<256xf32, #tpu.memory_space<vmem>>, vector<16xf32>,
    %swap3A_15 = arith.constant 96 : index
    %swap3A_16 = tpu.vector_load %arg5[%swap3A_15] {strides = array<i32>} : memref<256xf32, #tpu.memory_space<vmem>>, vector<16xf32>,
    tpu.vector_store %arg5[%swap3A_15], %broadcast_in_dim3A_3 {strides = array<i32>} : memref<256xf32, #tpu.memory_space<vmem>>, vector<16xf32>,
    %swap3A_17 = arith.constant 112 : index
    %swap3A_18 = tpu.vector_load %arg5[%swap3A_17] {strides = array<i32>} : memref<256xf32, #tpu.memory_space<vmem>>, vector<16xf32>,
    tpu.vector_store %arg5[%swap3A_17], %broadcast_in_dim3A_3 {strides = array<i32>} : memref<256xf32, #tpu.memory_space<vmem>>, vector<16xf32>,
    %swap3A_19 = arith.constant 128 : index
    %swap3A_20 = tpu.vector_load %arg5[%swap3A_19] {strides = array<i32>} : memref<256xf32, #tpu.memory_space<vmem>>, vector<16xf32>,
    tpu.vector_store %arg5[%swap3A_19], %broadcast_in_dim3A_3 {strides = array<i32>} : memref<256xf32, #tpu.memory_space<vmem>>, vector<16xf32>,
    %swap3A_21 = arith.constant 144 : index
    %swap3A_22 = tpu.vector_load %arg5[%swap3A_21] {strides = array<i32>} : memref<256xf32, #tpu.memory_space<vmem>>, vector<16xf32>,
    tpu.vector_store %arg5[%swap3A_21], %broadcast_in_dim3A_3 {strides = array<i32>} : memref<256xf32, #tpu.memory_space<vmem>>, vector<16xf32>,
    %swap3A_23 = arith.constant 160 : index
    %swap3A_24 = tpu.vector_load %arg5[%swap3A_23] {strides = array<i32>} : memref<256xf32, #tpu.memory_space<vmem>>, vector<16xf32>,
    tpu.vector_store %arg5[%swap3A_23], %broadcast_in_dim3A_3 {strides = array<i32>} : memref<256xf32, #tpu.memory_space<vmem>>, vector<16xf32>,
    %swap3A_25 = arith.constant 176 : index
    %swap3A_26 = tpu.vector_load %arg5[%swap3A_25] {strides = array<i32>} : memref<256xf32, #tpu.memory_space<vmem>>, vector<16xf32>,
    tpu.vector_store %arg5[%swap3A_25], %broadcast_in_dim3A_3 {strides = array<i32>} : memref<256xf32, #tpu.memory_space<vmem>>, vector<16xf32>,
    %swap3A_27 = arith.constant 192 : index
    %swap3A_28 = tpu.vector_load %arg5[%swap3A_27] {strides = array<i32>} : memref<256xf32, #tpu.memory_space<vmem>>, vector<16xf32>,
    tpu.vector_store %arg5[%swap3A_27], %broadcast_in_dim3A_3 {strides = array<i32>} : memref<256xf32, #tpu.memory_space<vmem>>, vector<16xf32>,
    %swap3A_29 = arith.constant 208 : index
    %swap3A_30 = tpu.vector_load %arg5[%swap3A_29] {strides = array<i32>} : memref<256xf32, #tpu.memory_space<vmem>>, vector<16xf32>,
    tpu.vector_store %arg5[%swap3A_29], %broadcast_in_dim3A_3 {strides = array<i32>} : memref<256xf32, #tpu.memory_space<vmem>>, vector<16xf32>,
    %swap3A_31 = arith.constant 224 : index
    %swap3A_32 = tpu.vector_load %arg5[%swap3A_31] {strides = array<i32>} : memref<256xf32, #tpu.memory_space<vmem>>, vector<16xf32>,
    tpu.vector_store %arg5[%swap3A_31], %broadcast_in_dim3A_3 {strides = array<i32>} : memref<256xf32, #tpu.memory_space<vmem>>, vector<16xf32>,
    %swap3A_33 = arith.constant 240 : index
    %swap3A_34 = tpu.vector_load %arg5[%swap3A_33] {strides = array<i32>} : memref<256xf32, #tpu.memory_space<vmem>>, vector<16xf32>,
    tpu.vector_store %arg5[%swap3A_33], %broadcast_in_dim3A_3 {strides = array<i32>} : memref<256xf32, #tpu.memory_space<vmem>>, vector<16xf32>,
    %broadcast_in_dim3A_35 = arith.constant 1.000000e+00 : f32
    %broadcast_in_dim3A_36 = vector.broadcast %broadcast_in_dim3A_35 : f32 to vector<16xf32>
    %get3A = arith.constant 0 : index
    %get3A_37 = tpu.vector_load %arg4[%get3A] {strides = array<i32>} : memref<256xi32, #tpu.memory_space<vmem>>, vector<16xi32>,
    tpu.vector_store_idx %arg5[%get3A_37], %broadcast_in_dim3A_36 {add = true} : memref<256xf32, #tpu.memory_space<vmem>>[vector<16xi32>], vector<16xf32>,
    %get3A_38 = arith.constant 16 : index
    %get3A_39 = tpu.vector_load %arg4[%get3A_38] {strides = array<i32>} : memref<256xi32, #tpu.memory_space<vmem>>, vector<16xi32>,
    tpu.vector_store_idx %arg5[%get3A_39], %broadcast_in_dim3A_36 {add = true} : memref<256xf32, #tpu.memory_space<vmem>>[vector<16xi32>], vector<16xf32>,
    %get3A_40 = arith.constant 32 : index
    %get3A_41 = tpu.vector_load %arg4[%get3A_40] {strides = array<i32>} : memref<256xi32, #tpu.memory_space<vmem>>, vector<16xi32>,
    tpu.vector_store_idx %arg5[%get3A_41], %broadcast_in_dim3A_36 {add = true} : memref<256xf32, #tpu.memory_space<vmem>>[vector<16xi32>], vector<16xf32>,
    %get3A_42 = arith.constant 48 : index
    %get3A_43 = tpu.vector_load %arg4[%get3A_42] {strides = array<i32>} : memref<256xi32, #tpu.memory_space<vmem>>, vector<16xi32>,
    tpu.vector_store_idx %arg5[%get3A_43], %broadcast_in_dim3A_36 {add = true} : memref<256xf32, #tpu.memory_space<vmem>>[vector<16xi32>], vector<16xf32>,
    %get3A_44 = arith.constant 64 : index
    %get3A_45 = tpu.vector_load %arg4[%get3A_44] {strides = array<i32>} : memref<256xi32, #tpu.memory_space<vmem>>, vector<16xi32>,
    tpu.vector_store_idx %arg5[%get3A_45], %broadcast_in_dim3A_36 {add = true} : memref<256xf32, #tpu.memory_space<vmem>>[vector<16xi32>], vector<16xf32>,
    %get3A_46 = arith.constant 80 : index
    %get3A_47 = tpu.vector_load %arg4[%get3A_46] {strides = array<i32>} : memref<256xi32, #tpu.memory_space<vmem>>, vector<16xi32>,
    tpu.vector_store_idx %arg5[%get3A_47], %broadcast_in_dim3A_36 {add = true} : memref<256xf32, #tpu.memory_space<vmem>>[vector<16xi32>], vector<16xf32>,
    %get3A_48 = arith.constant 96 : index
    %get3A_49 = tpu.vector_load %arg4[%get3A_48] {strides = array<i32>} : memref<256xi32, #tpu.memory_space<vmem>>, vector<16xi32>,
    tpu.vector_store_idx %arg5[%get3A_49], %broadcast_in_dim3A_36 {add = true} : memref<256xf32, #tpu.memory_space<vmem>>[vector<16xi32>], vector<16xf32>,
    %get3A_50 = arith.constant 112 : index
    %get3A_51 = tpu.vector_load %arg4[%get3A_50] {strides = array<i32>} : memref<256xi32, #tpu.memory_space<vmem>>, vector<16xi32>,
    tpu.vector_store_idx %arg5[%get3A_51], %broadcast_in_dim3A_36 {add = true} : memref<256xf32, #tpu.memory_space<vmem>>[vector<16xi32>], vector<16xf32>,
    %get3A_52 = arith.constant 128 : index
    %get3A_53 = tpu.vector_load %arg4[%get3A_52] {strides = array<i32>} : memref<256xi32, #tpu.memory_space<vmem>>, vector<16xi32>,
    tpu.vector_store_idx %arg5[%get3A_53], %broadcast_in_dim3A_36 {add = true} : memref<256xf32, #tpu.memory_space<vmem>>[vector<16xi32>], vector<16xf32>,
    %get3A_54 = arith.constant 144 : index
    %get3A_55 = tpu.vector_load %arg4[%get3A_54] {strides = array<i32>} : memref<256xi32, #tpu.memory_space<vmem>>, vector<16xi32>,
    tpu.vector_store_idx %arg5[%get3A_55], %broadcast_in_dim3A_36 {add = true} : memref<256xf32, #tpu.memory_space<vmem>>[vector<16xi32>], vector<16xf32>,
    %get3A_56 = arith.constant 160 : index
    %get3A_57 = tpu.vector_load %arg4[%get3A_56] {strides = array<i32>} : memref<256xi32, #tpu.memory_space<vmem>>, vector<16xi32>,
    tpu.vector_store_idx %arg5[%get3A_57], %broadcast_in_dim3A_36 {add = true} : memref<256xf32, #tpu.memory_space<vmem>>[vector<16xi32>], vector<16xf32>,
    %get3A_58 = arith.constant 176 : index
    %get3A_59 = tpu.vector_load %arg4[%get3A_58] {strides = array<i32>} : memref<256xi32, #tpu.memory_space<vmem>>, vector<16xi32>,
    tpu.vector_store_idx %arg5[%get3A_59], %broadcast_in_dim3A_36 {add = true} : memref<256xf32, #tpu.memory_space<vmem>>[vector<16xi32>], vector<16xf32>,
    %get3A_60 = arith.constant 192 : index
    %get3A_61 = tpu.vector_load %arg4[%get3A_60] {strides = array<i32>} : memref<256xi32, #tpu.memory_space<vmem>>, vector<16xi32>,
    tpu.vector_store_idx %arg5[%get3A_61], %broadcast_in_dim3A_36 {add = true} : memref<256xf32, #tpu.memory_space<vmem>>[vector<16xi32>], vector<16xf32>,
    %get3A_62 = arith.constant 208 : index
    %get3A_63 = tpu.vector_load %arg4[%get3A_62] {strides = array<i32>} : memref<256xi32, #tpu.memory_space<vmem>>, vector<16xi32>,
    tpu.vector_store_idx %arg5[%get3A_63], %broadcast_in_dim3A_36 {add = true} : memref<256xf32, #tpu.memory_space<vmem>>[vector<16xi32>], vector<16xf32>,
    %get3A_64 = arith.constant 224 : index
    %get3A_65 = tpu.vector_load %arg4[%get3A_64] {strides = array<i32>} : memref<256xi32, #tpu.memory_space<vmem>>, vector<16xi32>,
    tpu.vector_store_idx %arg5[%get3A_65], %broadcast_in_dim3A_36 {add = true} : memref<256xf32, #tpu.memory_space<vmem>>[vector<16xi32>], vector<16xf32>,
    %get3A_66 = arith.constant 240 : index
    %get3A_67 = tpu.vector_load %arg4[%get3A_66] {strides = array<i32>} : memref<256xi32, #tpu.memory_space<vmem>>, vector<16xi32>,
    tpu.vector_store_idx %arg5[%get3A_67], %broadcast_in_dim3A_36 {add = true} : memref<256xf32, #tpu.memory_space<vmem>>[vector<16xi32>], vector<16xf32>,
    "tpu.region"() ({
      %run_scoped3A = tpu.sem_alloc : memref<!tpu.dma_semaphore, #tpu.memory_space<semaphore_mem>>
      %dma_start3A = arith.constant 0 : i32
      %dma_start3A_68 = tpu.memref_slice %arg3[%add3A, %dma_start3A] : memref<32x256xf32, #tpu.memory_space<hbm>> -> memref<1x256xf32, #tpu.memory_space<hbm>>
      %dma_start3A_69 = tpu.memref_squeeze %dma_start3A_68 : memref<1x256xf32, #tpu.memory_space<hbm>> -> memref<256xf32, #tpu.memory_space<hbm>>
      %dma_start3A_70 = arith.constant 0 : i32
      %dma_start3A_71 = tpu.memref_slice %arg3[%add3A, %dma_start3A_70] : memref<32x256xf32, #tpu.memory_space<hbm>> -> memref<1x256xf32, #tpu.memory_space<hbm>>
      %dma_start3A_72 = tpu.memref_squeeze %dma_start3A_71 : memref<1x256xf32, #tpu.memory_space<hbm>> -> memref<256xf32, #tpu.memory_space<hbm>>
      tpu.enqueue_dma source(%arg5 : memref<256xf32, #tpu.memory_space<vmem>>) target(%dma_start3A_72 : memref<256xf32, #tpu.memory_space<hbm>>) target_semaphore(%run_scoped3A : memref<!tpu.dma_semaphore, #tpu.memory_space<semaphore_mem>>)
      %dma_wait3A = arith.constant 0 : i32
      %dma_wait3A_73 = tpu.memref_slice %arg3[%add3A, %dma_wait3A] : memref<32x256xf32, #tpu.memory_space<hbm>> -> memref<1x256xf32, #tpu.memory_space<hbm>>
      %dma_wait3A_74 = tpu.memref_squeeze %dma_wait3A_73 : memref<1x256xf32, #tpu.memory_space<hbm>> -> memref<256xf32, #tpu.memory_space<hbm>>
      %dma_wait3A_75 = arith.constant 0 : i32
      %dma_wait3A_76 = tpu.memref_slice %arg3[%add3A, %dma_wait3A_75] : memref<32x256xf32, #tpu.memory_space<hbm>> -> memref<1x256xf32, #tpu.memory_space<hbm>>
      %dma_wait3A_77 = tpu.memref_squeeze %dma_wait3A_76 : memref<1x256xf32, #tpu.memory_space<hbm>> -> memref<256xf32, #tpu.memory_space<hbm>>
      tpu.wait_dma2 semaphore(%run_scoped3A : memref<!tpu.dma_semaphore, #tpu.memory_space<semaphore_mem>>) src(%arg5 : memref<256xf32, #tpu.memory_space<vmem>>) dst(%dma_wait3A_77 : memref<256xf32, #tpu.memory_space<hbm>>)
      tpu.yield
    }) : () -> ()
    return
  }
}

module attributes {stable_mosaic.version = 14 : i64} {
  func.func @_tc_dense(%arg0: memref<32x256xf32, #tpu.memory_space<vmem>>, %arg1: memref<256x256xf32, #tpu.memory_space<vmem>>, %arg2: memref<12x256xf32, #tpu.memory_space<vmem>>, %arg3: memref<1x12xf32, #tpu.memory_space<vmem>>, %arg4: memref<1x12xf32, #tpu.memory_space<vmem>>) attributes {dimension_semantics = [], scalar_prefetch = 0 : i64, scratch_operands = 0 : i64, tpu.core_type = #tpu.core_type<tc>} {
    %get3A = arith.constant 0 : index
    %get3A_0 = arith.constant 0 : index
    %get3A_1 = vector.load %arg0[%get3A, %get3A_0] : memref<32x256xf32, #tpu.memory_space<vmem>>, vector<32x256xf32>
    %reduce_sum3A = arith.constant dense<0.000000e+00> : vector<256xf32>
    %reduce_sum3A_2 = vector.multi_reduction <add>, %get3A_1, %reduce_sum3A [0] : vector<32x256xf32> to vector<256xf32>
    %broadcast_in_dim3A = vector.shape_cast %reduce_sum3A_2 : vector<256xf32> to vector<1x256xf32>
    %get3A_3 = arith.constant 0 : index
    %get3A_4 = arith.constant 0 : index
    %get3A_5 = vector.load %arg1[%get3A_3, %get3A_4] : memref<256x256xf32, #tpu.memory_space<vmem>>, vector<256x256xf32>
    %dot_general3A = arith.constant dense<0.000000e+00> : vector<1x256xf32>
    %dot_general3A_6 = tpu.matmul %broadcast_in_dim3A, %get3A_5, %dot_general3A {dimension_numbers = #tpu.dot_dimension_numbers<[1], [0], [0], [1], [0, 0, 1, 1], [], []>, transpose_lhs_hint = false} : vector<1x256xf32>, vector<256x256xf32>, vector<1x256xf32> -> vector<1x256xf32>
    %mul3A = arith.constant 1.22070313E-4 : f32
    %mul3A_7 = vector.broadcast %mul3A : f32 to vector<1x256xf32>
    %mul3A_8 = arith.mulf %dot_general3A_6, %mul3A_7 : vector<1x256xf32>
    %get3A_9 = arith.constant 0 : index
    %get3A_10 = arith.constant 0 : index
    %get3A_11 = vector.load %arg2[%get3A_9, %get3A_10] : memref<12x256xf32, #tpu.memory_space<vmem>>, vector<12x256xf32>
    %dot_general3A_12 = arith.constant dense<0.000000e+00> : vector<1x12xf32>
    %dot_general3A_13 = tpu.matmul %mul3A_8, %get3A_11, %dot_general3A_12 {dimension_numbers = #tpu.dot_dimension_numbers<[1], [1], [0], [0], [0, 0, 1, 0], [], []>, transpose_lhs_hint = false} : vector<1x256xf32>, vector<12x256xf32>, vector<1x12xf32> -> vector<1x12xf32>
    %get3A_14 = arith.constant 0 : index
    %get3A_15 = arith.constant 0 : index
    %get3A_16 = vector.load %arg3[%get3A_14, %get3A_15] : memref<1x12xf32, #tpu.memory_space<vmem>>, vector<1x12xf32>
    %add3A = arith.addf %dot_general3A_13, %get3A_16 : vector<1x12xf32>
    %neg3A = arith.constant 0.000000e+00 : f32
    %neg3A_17 = vector.broadcast %neg3A : f32 to vector<1x12xf32>
    %neg3A_18 = arith.subf %neg3A_17, %add3A : vector<1x12xf32>
    %exp3A = math.exp %neg3A_18 : vector<1x12xf32>
    %add3A_19 = arith.constant 1.000000e+00 : f32
    %add3A_20 = vector.broadcast %add3A_19 : f32 to vector<1x12xf32>
    %add3A_21 = arith.addf %add3A_20, %exp3A : vector<1x12xf32>
    %div3A = arith.constant 1.000000e+00 : f32
    %div3A_22 = vector.broadcast %div3A : f32 to vector<1x12xf32>
    %div3A_23 = arith.divf %div3A_22, %add3A_21 : vector<1x12xf32>
    %swap3A = arith.constant 0 : index
    %swap3A_24 = arith.constant 0 : index
    %swap3A_25 = vector.load %arg4[%swap3A, %swap3A_24] : memref<1x12xf32, #tpu.memory_space<vmem>>, vector<1x12xf32>
    tpu.vector_store %arg4[%swap3A, %swap3A_24], %div3A_23 {strides = array<i32>} : memref<1x12xf32, #tpu.memory_space<vmem>>, vector<1x12xf32>,
    return
  }
}

</mosaic_0001>

<sc_bundles>
// kernel: kernel.4.cloned.1.call-start
scs
__scs_entry_jumppad:
0x0: {  	(pc) =	sbr.rel $0x88, $3  }
0x1: {  	(tag) =	ssettag $0x0;
	lr =	simm.s32 $0x1  }
0x2: {  	[smem:$0x3F9D] =	sst lr;
	_ =	strace $0xD0000000  }
0x3: {  	_ = 	snop  }
0x4: {  	_ = 	snop  }
0x5: {  	_ = 	snop  }
0x6: {  	_ = 	snop  }
0x7: {  	_ = 	snop  }
__scs_overlays_trampoline_lowered:
0x8: {  	[smem:$0x3FAC] =	sst s0  }
0x9: {  	[smem:$0x3FAD] =	sst s1  }
0xa: {  	[smem:$0x3FAE] =	sst s2  }
0xb: {  	[smem:$0x3FAF] =	sst s3  }
0xc: {  	[smem:$0x3FB0] =	sst s4  }
0xd: {  	[smem:$0x3FB1] =	sst s5  }
0xe: {  	[smem:$0x3FB2] =	sst s6  }
0xf: {  	[smem:$0x3FB3] =	sst s7  }
0x10: {  	[smem:$0x3FB4] =	sst s8  }
0x11: {  	[smem:$0x3FB5] =	sst s9;
	s0 =	simm.s32 @!p0 $0x0  }
0x12: {  	s1 =	sld [smem:$0x3F9B];
	s0 =	simm.s32 @p0 $0x1  }
0x13: {  	[smem:$0x3FB6] =	sst s0;
	s0 =	simm.s32 @!p1 $0x0  }
0x14: {  	s2 =	sld [smem:$0x3F9A];
	s0 =	simm.s32 @p1 $0x1  }
0x15: {  	[smem:$0x3FB7] =	sst s0;
	s0 =	simm.s32 @!p2 $0x0  }
0x16: {  	s3 =	sld [smem:$0x3FDB];
	s0 =	simm.s32 @p2 $0x1  }
0x17: {  	s4 =	simm.s32 $0x1BF5;
	[smem:$0x3FB9] =	sst s0  }
0x18: {  	s0 =	sld [smem:$0x3F9C];
	_ =	swait.ge [sflag:s4], $0x0  }
0x19: {  	s7 =	sld [smem:$0x3F9D]  }
0x1a: {  	s8 =	sadd.s32 $0xFFFFE003, lr  }
0x1b: {  	s9 =	sadd.s32 $0xFFFFFEF7, lr;
	s5 =	simm.s32 $0xFFFFFFFF;
	p2 =	slt.u32 s8, $0xFFFFF086  }
0x1c: {  	p1 =	slt.u32 s9, $0xF7A;
	s5 =	simm.s32 @!p2 $0x0  }
0x1d: {  	s5 =	simm.s32 @p1 $0x1;
	p0 =	seq.s32 s7, s2  }
0x1e: {  	s7 =	smul.u32 @!p0 $0xF7A, s2;
	p2 =	seq.s32 @!p0 s5, $0x0  }
0x1f: {  	s9 =	smul.u32 $0xF7A, s1;
	s8 =	simm.s32 @!p0 $0x1BF5;
	p2 =	por !p2, p0  }
0x20: {  	[sflag:s8] =	ssyncset.s32 @!p0 $0xFFFFF086;
	s6 =	sadd.s32 @!p0 s3, s7;
	s7 =	simm.s32 @!p0 $0x108  }
0x21: {  	s3 =	sadd.s32 s3, s9;
	s6 =	sadd.s32 @!p0 $0x88, s6;
	s7 =	simm.s32 @p2 $0x1082  }
0x22: {  	[simem:s7], [sflag:s8] =	dma.local @!p0 [hbm:s6], $0xF7A  }
0x23: {  	s9 =	sor.u32 $0xD0000000, s2;
	s6 =	simm.s32 $0x108;
	_ =	swait.ge @!p0 [sflag:s8], $0x0  }
0x24: {  	s3 =	sadd.s32 $0x88, s3;
	s6 =	simm.s32 @!p1 $0x1082;
	[sflag:s4] =	ssyncset.s32 $0xFFFFF086  }
0x25: {  	[simem:s6], [sflag:s4] =	dma.local [hbm:s3], $0xF7A  }
0x26: {  	[smem:$0x3F9D] =	sst s1;
	(tag) =	ssettag s2;
	_ =	strace s9  }
0x27: {  	s1 =	sld [smem:$0x3FAD]  }
0x28: {  	s2 =	sld [smem:$0x3FAE]  }
0x29: {  	s4 =	sld [smem:$0x3FB0]  }
0x2a: {  	p0 =	seq.s32 s5, $0x0;
	s5 =	sld [smem:$0x3FB1]  }
0x2b: {  	s6 =	sld [smem:$0x3FB2]  }
0x2c: {  	s7 =	sld [smem:$0x3FB3]  }
0x2d: {  	s3 =	simm.s32 $0x108;
	s8 =	sld [smem:$0x3FB4]  }
0x2e: {  	s3 =	simm.s32 @!p0 $0x1082;
	s9 =	sld [smem:$0x3FB5]  }
0x2f: {  	lr =	sadd.s32 s0, s3;
	s0 =	sld [smem:$0x3FAC]  }
0x30: {  	s3 =	sld [smem:$0x3FAF]  }
0x31: {  	[smem:$0x3FB8] =	sst s10  }
0x32: {  	s10 =	sld [smem:$0x3FB6];
	_ =	sdelay $0x3  }
0x33: {  	p0 =	seq.s32 s10, $0x1;
	s10 =	sld [smem:$0x3FB8];
	_ =	sdelay $0x3  }
0x34: {  	[smem:$0x3FB8] =	sst s10  }
0x35: {  	s10 =	sld [smem:$0x3FB7];
	_ =	sdelay $0x3  }
0x36: {  	p1 =	seq.s32 s10, $0x1;
	s10 =	sld [smem:$0x3FB8];
	_ =	sdelay $0x3  }
0x37: {  	[smem:$0x3FB8] =	sst s10  }
0x38: {  	s10 =	sld [smem:$0x3FB9]  }
0x39: {  	_ = 	snop;
	(pc) =	sbr.ind lr, $3  }
0x3a: {  	_ = 	snop  }
0x3b: {  	_ = 	snop  }
0x3c: {  	p2 =	seq.s32 s10, $0x1;
	s10 =	sld [smem:$0x3FB8]  }
0x3d: {  	_ =	shalt  }
0x3e: {  	_ =	shalt  }
0x3f: {  	_ =	shalt  }
0x40: {  	_ =	shalt  }
0x41: {  	_ =	shalt  }
0x42: {  	_ =	shalt  }
0x43: {  	_ =	shalt  }
0x44: {  	_ =	shalt  }
0x45: {  	_ =	shalt  }
0x46: {  	_ =	shalt  }
0x47: {  	_ =	shalt  }
0x48: {  	_ =	shalt  }
0x49: {  	_ =	shalt  }
0x4a: {  	_ =	shalt  }
0x4b: {  	_ =	shalt  }
0x4c: {  	_ =	shalt  }
0x4d: {  	_ =	shalt  }
0x4e: {  	_ =	shalt  }
0x4f: {  	_ =	shalt  }
0x50: {  	_ =	shalt  }
0x51: {  	_ =	shalt  }
0x52: {  	_ =	shalt  }
0x53: {  	_ =	shalt  }
0x54: {  	_ =	shalt  }
0x55: {  	_ =	shalt  }
0x56: {  	_ =	shalt  }
0x57: {  	_ =	shalt  }
0x58: {  	_ =	shalt  }
0x59: {  	_ =	shalt  }
0x5a: {  	_ =	shalt  }
0x5b: {  	_ =	shalt  }
0x5c: {  	_ =	shalt  }
0x5d: {  	_ =	shalt  }
0x5e: {  	_ =	shalt  }
0x5f: {  	_ =	shalt  }
0x60: {  	_ =	shalt  }
0x61: {  	_ =	shalt  }
0x62: {  	_ =	shalt  }
0x63: {  	_ =	shalt  }
0x64: {  	_ =	shalt  }
0x65: {  	_ =	shalt  }
0x66: {  	_ =	shalt  }
0x67: {  	_ =	shalt  }
0x68: {  	_ =	shalt  }
0x69: {  	_ =	shalt  }
0x6a: {  	_ =	shalt  }
0x6b: {  	_ =	shalt  }
0x6c: {  	_ =	shalt  }
0x6d: {  	_ =	shalt  }
0x6e: {  	_ =	shalt  }
0x6f: {  	_ =	shalt  }
0x70: {  	_ =	shalt  }
0x71: {  	_ =	shalt  }
0x72: {  	_ =	shalt  }
0x73: {  	_ =	shalt  }
0x74: {  	_ =	shalt  }
0x75: {  	_ =	shalt  }
0x76: {  	_ =	shalt  }
0x77: {  	_ =	shalt  }
0x78: {  	_ =	shalt  }
0x79: {  	_ =	shalt  }
0x7a: {  	_ =	shalt  }
0x7b: {  	_ =	shalt  }
0x7c: {  	_ =	shalt  }
0x7d: {  	_ =	shalt  }
0x7e: {  	_ =	shalt  }
0x7f: {  	_ =	shalt  }
0x80: {  	_ =	shalt  }
0x81: {  	_ =	shalt  }
0x82: {  	_ =	shalt  }
0x83: {  	_ =	shalt  }
0x84: {  	_ =	shalt  }
0x85: {  	_ =	shalt  }
0x86: {  	_ =	shalt  }
0x87: {  	_ =	shalt  }
.Lfunc_end0:
.L_simem_size_0:
called_computation_lowered:
.L_overlay_start_0:
0x88: {  	s2 =	sld [smem:$0x3FD9]  }
0x89: {  	s3 =	sld [smem:$0x3FFE];
	_ =	sdelay $0x1  }
0x8a: {  	s1 =	srdreg.scid  }
0x8b: {  	s0 =	sand.u32 $0x1, s1  }
0x8c: {  	s17 =	sshll.u32 s0, $0xA;
	s2 =	sadd.s32 s3, s2  }
0x8d: {  	s2 =	sadd.s32 s2, s17  }
0x8e: {  	[smem:$0x3FC4] =	sst s2  }
0x8f: {  	_ = 	snop  }
0x90: {  	s2 =	sld [smem:$0x3FC9];
	(tm) =	ssettm $0x1  }
0x91: {  	s18 =	sld [smem:$0x3FFB];
	_ =	sdelay $0x3  }
0x92: {  	_ =	strace s18  }
0x93: {  	s3 =	sld [smem:$0x3FFC];
	_ =	sdelay $0x3  }
0x94: {  	_ =	strace s3  }
0x95: {  	s3 =	sld [smem:$0x3FFD];
	_ =	sdelay $0x3  }
0x96: {  	_ =	strace s3  }
0x97: {  	_ =	strace $0x8FFFFFFF  }
0x98: {  	s19 =	sld [smem:$0x3FDB];
	_ =	sdelay $0x1  }
0x99: {  	s4 =	simm.s32 $_scs_section_size  }
0x9a: {  	s5 =	simm.s32 $_size__tile_overlayer_lowered;
	s6 =	simm.s32 $_tile_overlayer_lowered  }
0x9b: {  	s22 =	simm.s32 $0x1BFF;
	s21 =	sshll.u32 s6, $0x1;
	s3 =	sadd.s32 s4, s19  }
0x9c: {  	s7 =	simm.s32 $0x0;
	s20 =	sshll.u32 s5, $0x1;
	s5 =	sadd.s32 s21, s3  }
0x9d: {  	[timem:s7], [sflag:s22] =	dma.local [hbm:s5], s20  }
0x9e: {  	_ =	swait.ge [sflag:s22], s20  }
0x9f: {  	s4 =	ssub.s32 $0x0, s20;
	[sflag:s22] =	ssyncset.done $0x0  }
0xa0: {  	[sflag:s22] =	ssyncadd.s32 s4;
	_ =	sdelay $0x1  }
0xa1: {  	s23 =	simm.s32 $0x1B8B  }
0xa2: {  	_ =	swait.ge [sflag:s23], $0x1  }
0xa3: {  	[sflag:s23] =	ssyncset.done $0x0  }
0xa4: {  	s25 =	simm.s32 $0x1B8E;
	s24 =	sld [smem:$0x3FFE];
	[sflag:s23] =	ssyncadd.s32 $0xFFFFFFFF  }
0xa5: {  	s26 =	simm.s32 $execute0_lowered;
	[smem:$0x3FD2] =	sst s25  }
0xa6: {  	s5 =	sshll.u32 s26, $0x1;
	_ =	strace $0x80000046;
	[dreg:$0x1] =	wrdreg $0xFFFFFFFF  }
0xa7: {  	s28 =	simm.s32 $_size_execute0_lowered;
	s3 =	sadd.s32 s3, s5;
	[dreg:$0x0] =	wrdreg $0x0  }
0xa8: {  	s5 =	sshll.u32 s28, $0x1;
	[dreg:$0x2] =	wrdreg s3  }
0xa9: {  	[dreg:$0x3] =	wrdreg s5  }
0xaa: {  	[dreg:$0x4] =	wrdreg $0xC0  }
0xab: {  	_ =	task [dreg:s7], $0x5FFFF  }
0xac: {  	[dreg:$0x1] =	wrdreg $0xFFFFFFFF  }
0xad: {  	[dreg:$0x0] =	wrdreg $0x60  }
0xae: {  	[dreg:$0x2] =	wrdreg s2  }
0xaf: {  	[dreg:$0x3] =	wrdreg s24  }
0xb0: {  	[dreg:$0x4] =	wrdreg $0x9  }
0xb1: {  	_ =	task.clear_ibuf [dreg:s7], $0x5FFFF;
	_ =	strace $0x90000046  }
0xb2: {  	s29 =	simm.s32 $0x9;
	_ =	strace $0x80000048  }
0xb3: {  	_ =	swait.ge [sflag:s29], $0x1  }
0xb4: {  	[sflag:s29] =	ssyncadd.s32 $0xFFFFFFFF  }
0xb5: {  	_ =	strace $0x90000048  }
0xb6: {  	_ =	sfence  }
0xb7: {  	s30 =	sld [smem:$0x0];
	_ =	sdelay $0x2  }
0xb8: {  	s31 =	sshll.u32 s1, $0xD;
	s1 =	sshrl.u32 s1, $0x2  }
0xb9: {  	s3 =	sand.u32 $0x4000, s31;
	s1 =	sadd.s32 s1, s30  }
0xba: {  	s0 =	sor.u32 s3, s0;
	s1 =	sshll.u32 s1, $0x11  }
0xbb: {  	s0 =	sor.u32 s1, s0  }
0xbc: {  	s0 =	sadd.s32 $0x8F2B, s0  }
0xbd: {  	[sflag:s0] =	ssyncadd.remote.s32 $0x1  }
0xbe: {  	_ =	sfence.sel $0xFFFF  }
0xbf: {  	[dreg:$0x0] =	wrdreg $0xFFFFFFFF;
	(pc) =	sbr.abs _section_cstart, $3  }
0xc0: {  	[dreg:$0x1] =	wrdreg $0xFFFFFFFF  }
0xc1: {  	_ =	task.clear_ibuf [dreg:s7], $0x2FFFF;
	_ =	strace $0x9FFFFFFF  }
0xc2: {  	(tm) =	ssettm $0x7FFFFFFF  }
0xc3: {  	_ =	shalt  }
tec
execute0_lowered:
.L_overlay_start_1:
0x0: {  	(tag) =	ssettag $0x1  }
0x1: {  	s3 =	rddreg [dreg:$0x0]  }
0x2: {  	s4 =	rddreg [dreg:$0x1]  }
0x3: {  	s0 =	rddreg [dreg:$0x2];
	s2 =	simm.s32 $0x0  }
0x4: {  	s1 =	stileid.u32;
	s5 =	srdreg.scid;
	s9 =	simm.s32 $0x400  }
0x5: {  	[smem:$0x7FF] =	sst s2;
	s6 =	sshll.u32 s1, $0x6;
	s5 =	sand.u32 $0x1, s5  }
0x6: {  	s7 =	sshll.u32 s1, $0x1;
	_ =	strace $0x80000047;
	s6 =	sand.u32 $0x300, s6  }
0x7: {  	s7 =	sor.u32 s5, s7;
	s5 =	ssub.s32 $0x2, s5;
	s4 =	sadd.s32 s6, s4  }
0x8: {  	s31 =	sshll.u32 s7, $0x4;
	s8 =	sshrl.u32 s5, $0x1;
	s7 =	sshll.u32 s7, $0x5  }
0x9: {  	s6 =	sand.u32 $0x70, s31;
	s5 =	ssub.s32 s5, s8;
	s3 =	sadd.s32 s3, s7  }
0xa: {  	s7 =	simm.s32 $0x100;
	s8 =	simm.s32 $0x80;
	s4 =	sadd.s32 s6, s4  }
0xb: {  	v0 =	vimm.f32 $0.0e+00;
	v1 =	vimm.f32 $1.000000000e+00;
	s5 =	smax.u32 s5, $0x1;
	s6 =	simm.s32 $0x1;
	s4 =	sadd.s32 $0xC00, s4  }
.LBB2_1:
0xc: {  	[tilespmem:s2], [sflag:$0x1] =	stream.linear.gather [hbm4b:s3+s2], $0x100, $0x38;
	[tilespmem:$0x200] =	vst v63  }
0xd: {  	_ =	swait.ge [sflag:s6], $0x100  }
0xe: {  	[sflag:s6] =	ssyncset.done $0x0  }
0xf: {  	[sflag:s6] =	ssyncadd.s32 $0xFFFFFF00  }
0x10: {  	[tilespmem:$0x100] =	vst v0  }
0x11: {  	[tilespmem:$0x110] =	vst v0  }
0x12: {  	[tilespmem:$0x120] =	vst v0  }
0x13: {  	[tilespmem:$0x130] =	vst v0  }
0x14: {  	[tilespmem:$0x140] =	vst v0  }
0x15: {  	[tilespmem:$0x150] =	vst v0  }
0x16: {  	[tilespmem:$0x160] =	vst v0  }
0x17: {  	[tilespmem:$0x170] =	vst v0  }
0x18: {  	[tilespmem:$0x180] =	vst v0;
	v2 =	vld [tilespmem:$0x0]  }
0x19: {  	[tilespmem:$0x190] =	vst v0  }
0x1a: {  	[tilespmem:$0x1A0] =	vst v0  }
0x1b: {  	[tilespmem:$0x1B0] =	vst v0  }
0x1c: {  	[tilespmem:$0x1C0] =	vst v0  }
0x1d: {  	[tilespmem:$0x1D0] =	vst v0  }
0x1e: {  	[tilespmem:$0x1E0] =	vst v0  }
0x1f: {  	[tilespmem:$0x1F0] =	vst v0  }
0x20: {  	[tilespmem:v2+s7+$0x0] =	vst.idx.add.f32.msk $0xffff, v1  }
0x21: {  	v2 =	vld [tilespmem:$0x10];
	_ =	sdelay $0x7  }
0x22: {  	[tilespmem:v2+s7+$0x0] =	vst.idx.add.f32.msk $0xffff, v1  }
0x23: {  	v2 =	vld [tilespmem:$0x20];
	_ =	sdelay $0x7  }
0x24: {  	[tilespmem:v2+s7+$0x0] =	vst.idx.add.f32.msk $0xffff, v1  }
0x25: {  	v2 =	vld [tilespmem:$0x30];
	_ =	sdelay $0x7  }
0x26: {  	[tilespmem:v2+s7+$0x0] =	vst.idx.add.f32.msk $0xffff, v1  }
0x27: {  	v2 =	vld [tilespmem:$0x40];
	_ =	sdelay $0x7  }
0x28: {  	[tilespmem:v2+s7+$0x0] =	vst.idx.add.f32.msk $0xffff, v1  }
0x29: {  	v2 =	vld [tilespmem:$0x50];
	_ =	sdelay $0x7  }
0x2a: {  	[tilespmem:v2+s7+$0x0] =	vst.idx.add.f32.msk $0xffff, v1  }
0x2b: {  	v2 =	vld [tilespmem:$0x60];
	_ =	sdelay $0x7  }
0x2c: {  	[tilespmem:v2+s7+$0x0] =	vst.idx.add.f32.msk $0xffff, v1  }
0x2d: {  	v2 =	vld [tilespmem:$0x70];
	_ =	sdelay $0x7  }
0x2e: {  	[tilespmem:v2+s7+$0x0] =	vst.idx.add.f32.msk $0xffff, v1  }
0x2f: {  	v2 =	vld [tilespmem:$0x80];
	_ =	sdelay $0x7  }
0x30: {  	[tilespmem:v2+s7+$0x0] =	vst.idx.add.f32.msk $0xffff, v1  }
0x31: {  	v2 =	vld [tilespmem:$0x90];
	_ =	sdelay $0x7  }
0x32: {  	[tilespmem:v2+s7+$0x0] =	vst.idx.add.f32.msk $0xffff, v1  }
0x33: {  	v2 =	vld [tilespmem:$0xA0];
	_ =	sdelay $0x7  }
0x34: {  	[tilespmem:v2+s7+$0x0] =	vst.idx.add.f32.msk $0xffff, v1  }
0x35: {  	v2 =	vld [tilespmem:$0xB0];
	_ =	sdelay $0x7  }
0x36: {  	[tilespmem:v2+s7+$0x0] =	vst.idx.add.f32.msk $0xffff, v1  }
0x37: {  	v2 =	vld [tilespmem:$0xC0];
	_ =	sdelay $0x7  }
0x38: {  	[tilespmem:v2+s7+$0x0] =	vst.idx.add.f32.msk $0xffff, v1  }
0x39: {  	v2 =	vld [tilespmem:$0xD0];
	_ =	sdelay $0x7  }
0x3a: {  	[tilespmem:v2+s7+$0x0] =	vst.idx.add.f32.msk $0xffff, v1  }
0x3b: {  	v2 =	vld [tilespmem:$0xE0];
	_ =	sdelay $0x7  }
0x3c: {  	[tilespmem:v2+s7+$0x0] =	vst.idx.add.f32.msk $0xffff, v1  }
0x3d: {  	v2 =	vld [tilespmem:$0xF0];
	_ =	sdelay $0x6  }
0x3e: {  	p0 =	sne.s32 s5, $0x1  }
.Ltmp0:
0x3f: {  	[tilespmem:v2+s7+$0x0] =	vst.idx.add.f32.msk $0xffff, v1;
	(pc) =	sbr.rel @p0 .LBB2_1-.Ltmp0, $4  }
0x40: {  	[hbm4b:s4+s8] =	stream.strided.scatter [tilespmem:s7], [sflag:$0x1], $0x100, s9, s8, $0x38;
	[tilespmem:$0x200] =	vst v63  }
0x41: {  	_ =	swait.ge [sflag:s6], $0x100  }
0x42: {  	[sflag:s6] =	ssyncset.done $0x0  }
0x43: {  	s5 =	sadd.s32 $0xFFFFFFFF, s5;
	[sflag:s6] =	ssyncadd.s32 $0xFFFFFF00  }
0x44: {  	_ =	sfence.sel $0x180000  }
0x45: {  	[bflag:$0x0] =	sbarrier.arrive $0xFFFF  }
0x46: {  	p0 =	sne.s32 s1, $0x0;
	_ =	strace $0x90000047  }
0x47: {  	s0 =	sadd.s32 @!p0 $0x100000, s0;
	[bflag:$0x2] =	sbarrier.arrive $0xFFFF  }
0x48: {  	[sflag:s0] =	ssyncadd.tile.s32 @!p0 $0x1;
	_ =	shalt  }
.Lfunc_end2:
_tile_overlayer_lowered:
.L_overlay_start_2:
0x49: {  	(tag) =	ssettag $0x2  }
0x4a: {  	s0 =	rddreg [dreg:$0x0];
	s2 =	stileid.u32  }
0x4b: {  	s1 =	rddreg [dreg:$0x1];
	p0 =	sne.s32 s2, $0x0  }
0x4c: {  	s3 =	rddreg [dreg:$0x2];
	[bflag:$0x3] =	sbarrier.arrive $0xFFFF;
	s2 =	simm.s32 @!p0 $0x1C01  }
0x4d: {  	[timem:s3], [sflag:s2] =	dma.local @!p0 [hbm:s0], s1  }
0x4e: {  	s0 =	simm.s32 @!p0 $0x1  }
0x4f: {  	_ =	swait.ge @!p0 [sflag:s0], s1  }
0x50: {  	s1 =	ssub.s32 @!p0 $0x0, s1;
	[sflag:s0] =	ssyncset.done @!p0 $0x0  }
0x51: {  	[sflag:s0] =	ssyncadd.s32 @!p0 s1  }
0x52: {  	[bflag:$0x3] =	sbarrier.arrive $0xFFFF  }
0x53: {  	_ =	shalt  }

</sc_bundles>
